<compile_context>
chip_gen: v7x
topology: tpu7x:2x2x1
jax: 0.10.2.dev20260603
libtpu: 0.0.44.dev20260713+nightly
codegen_flags: <defaults>
</compile_context>

<pallas_src>
import functools

import jax
import jax.numpy as jnp
from jax import lax
from jax.experimental import pallas as pl
from jax.experimental.pallas import tpu as pltpu
from jax.experimental.pallas import tpu_sc as plsc

_NC = 2
_NS = 16
_G = 8


def _tc_copy_body(c_ref, o_ref):
    o_ref[...] = c_ref[...]


def _tc_copy(cache2, rows_per_block):
    M, D = cache2.shape
    spec = pl.BlockSpec((rows_per_block, D), lambda i: (i, 0))
    return pl.pallas_call(
        _tc_copy_body,
        grid=(M // rows_per_block,),
        in_specs=[spec],
        out_specs=spec,
        out_shape=jax.ShapeDtypeStruct(cache2.shape, cache2.dtype),
    )(cache2)


def _sc_scatter(o_ref, x2, idxv, N, S, D):
    rows_per_core = N // _NC
    mesh = plsc.VectorSubcoreMesh(
        core_axis_name="c", subcore_axis_name="s", num_cores=_NC, num_subcores=_NS
    )

    @functools.partial(
        pl.kernel,
        out_type=(),
        mesh=mesh,
        scratch_types=[
            pltpu.VMEM((16,), jnp.int32),
            pltpu.VMEM((rows_per_core,), jnp.int32),
            pltpu.VMEM((rows_per_core, D), jnp.float32),
            pltpu.SemaphoreType.DMA,
            pltpu.SemaphoreType.DMA,
        ],
    )
    def sck(x_hbm, idx_hbm, o_hbm, idx_v, rowid_v, xr, s_stage, s_scatter):
        c = lax.axis_index("c")
        s = lax.axis_index("s")

        @pl.when(s == 0)
        def _scatter():
            row0 = c * rows_per_core
            stage = pltpu.make_async_copy(
                x_hbm.at[pl.ds(row0, rows_per_core)], xr, s_stage
            )
            stage.start()
            idx_cp = pltpu.make_async_copy(idx_hbm, idx_v, s_scatter)
            idx_cp.start()
            idx_cp.wait()
            for j in range(rows_per_core // 16):
                rid = (lax.iota(jnp.int32, 16) + (row0 + j * 16)) * S + idx_v[...]
                rowid_v[pl.ds(j * 16, 16)] = rid
            stage.wait()
            sc = pltpu.async_copy(xr, o_hbm.at[rowid_v], s_scatter)
            sc.wait()

    sck(x2, idxv, o_ref)


def kernel(k_cache, v_cache, xk, xv, layer_past_len):
    B, Hkv, S, D = k_cache.shape
    N = B * Hkv
    idxv = jnp.full((16,), jnp.asarray(layer_past_len, jnp.int32))
    ok2 = _tc_copy(k_cache.reshape(N * S, D), _G * S)
    ok_ref = jax.new_ref(ok2)
    _sc_scatter(ok_ref, xk.reshape(N, D), idxv, N, S, D)
    ov2 = _tc_copy(v_cache.reshape(N * S, D), _G * S)
    ov_ref = jax.new_ref(ov2)
    _sc_scatter(ov_ref, xv.reshape(N, D), idxv, N, S, D)
    ok = jax.freeze(ok_ref)
    ov = jax.freeze(ov_ref)
    return ok.reshape(B, Hkv, S, D), ov.reshape(B, Hkv, S, D)

# --- scband reference (transcript-rebuilt; emitter-appended) ---
"""Pipeline reference for scband-tt-llama-kvupdate-81063212745030 (READ-ONLY COPY).

The authoritative reference and input builder live on the scoring server;
editing this copy changes nothing except your own understanding.
"""

import jax, jax.numpy as jnp
import numpy as np


def setup_inputs(seed: int = 0) -> dict:
    key = jax.random.key(seed)
    k1, k2, k3, k4 = jax.random.split(key, 4)
    B, Hkv, S, D = 16, 8, 2048, 128
    return {
        "k_cache": jax.random.normal(k1, (B, Hkv, S, D), dtype=jnp.float32),
        "v_cache": jax.random.normal(k2, (B, Hkv, S, D), dtype=jnp.float32),
        "xk": jax.random.normal(k3, (B, Hkv, 1, D), dtype=jnp.float32),
        "xv": jax.random.normal(k4, (B, Hkv, 1, D), dtype=jnp.float32),
        "layer_past_len": 1024,
    }


def reference(k_cache, v_cache, xk, xv, layer_past_len):
    # ttnn.update_cache(cache, x, idx): scatter-overwrite the decode token x
    # into the cache at sequence position idx for every (batch, kv_head).
    # cache: [B, Hkv, S, D], x: [B, Hkv, 1, D]
    new_k = jax.lax.dynamic_update_slice(k_cache, xk, (0, 0, layer_past_len, 0))
    new_v = jax.lax.dynamic_update_slice(v_cache, xv, (0, 0, layer_past_len, 0))
    return (new_k, new_v)

if __name__ == "__main__":
    import jax
    _d = setup_inputs()
    print(jax.jit(kernel)(*tuple(_d.values())))

</pallas_src>

<mosaic_0001>
#map = affine_map<(d0, d1) -> (0, 0)>
#map1 = affine_map<(d0, d1) -> (0)>
module attributes {stable_mosaic.version = 14 : i64} {
  func.func @new_body(%arg0: i32, %arg1: i32, %arg2: memref<128x128xf32, #tpu.memory_space<hbm>>, %arg3: memref<16xi32, #tpu.memory_space<hbm>>, %arg4: memref<262144x128xf32, #tpu.memory_space<hbm>>, %arg5: memref<262144x128xf32, #tpu.memory_space<hbm>>, %arg6: memref<16xi32, #tpu.memory_space<vmem>>, %arg7: memref<64xi32, #tpu.memory_space<vmem>>, %arg8: memref<64x128xf32, #tpu.memory_space<vmem>>, %arg9: memref<!tpu.dma_semaphore, #tpu.memory_space<semaphore_mem>>, %arg10: memref<!tpu.dma_semaphore, #tpu.memory_space<semaphore_mem>>) attributes {dimension_semantics = [#tpu.dimension_semantics<core_parallel>, #tpu.dimension_semantics<subcore_parallel>], iteration_bounds = array<i64: 2, 16>, scalar_prefetch = 0 : i64, scratch_operands = 5 : i64, tpu.core_type = #tpu.core_type<sc_vector_subcore>, window_params = [{transform_indices = #map}, {transform_indices = #map1}, {transform_indices = #map}, {transform_indices = #map}]} {
    %eq3A = arith.constant 0 : i32
    %eq3A_0 = arith.cmpi eq, %arg1, %eq3A : i32
    %convert_element_type3A = arith.extui %eq3A_0 : i1 to i32
    %cond3A = arith.constant 0 : i32
    %cond3A_1 = arith.cmpi ne, %convert_element_type3A, %cond3A : i32
    scf.if %cond3A_1 {
      %mul3A = arith.constant 64 : i32
      %mul3A_2 = arith.muli %arg0, %mul3A : i32
      %dma_start3A = arith.constant 0 : i32
      %dma_start3A_3 = tpu.memref_slice %arg2[%mul3A_2, %dma_start3A] : memref<128x128xf32, #tpu.memory_space<hbm>> -> memref<64x128xf32, #tpu.memory_space<hbm>>
      %dma_start3A_4 = arith.constant 0 : i32
      %dma_start3A_5 = tpu.memref_slice %arg2[%mul3A_2, %dma_start3A_4] : memref<128x128xf32, #tpu.memory_space<hbm>> -> memref<64x128xf32, #tpu.memory_space<hbm>>
      tpu.enqueue_dma source(%dma_start3A_5 : memref<64x128xf32, #tpu.memory_space<hbm>>) target(%arg8 : memref<64x128xf32, #tpu.memory_space<vmem>>) target_semaphore(%arg9 : memref<!tpu.dma_semaphore, #tpu.memory_space<semaphore_mem>>)
      tpu.enqueue_dma source(%arg3 : memref<16xi32, #tpu.memory_space<hbm>>) target(%arg6 : memref<16xi32, #tpu.memory_space<vmem>>) target_semaphore(%arg10 : memref<!tpu.dma_semaphore, #tpu.memory_space<semaphore_mem>>)
      tpu.wait_dma2 semaphore(%arg10 : memref<!tpu.dma_semaphore, #tpu.memory_space<semaphore_mem>>) src(%arg3 : memref<16xi32, #tpu.memory_space<hbm>>) dst(%arg6 : memref<16xi32, #tpu.memory_space<vmem>>)
      %iota3A = tpu.iota {dimensions = array<i32: 0>} : vector<16xi32>
      %add3A = arith.constant 0 : i32
      %add3A_6 = arith.addi %mul3A_2, %add3A : i32
      %add3A_7 = vector.broadcast %add3A_6 : i32 to vector<16xi32>
      %add3A_8 = arith.addi %iota3A, %add3A_7 : vector<16xi32>
      %mul3A_9 = arith.constant 2048 : i32
      %mul3A_10 = vector.broadcast %mul3A_9 : i32 to vector<16xi32>
      %mul3A_11 = arith.muli %add3A_8, %mul3A_10 : vector<16xi32>
      %get3A = arith.constant 0 : index
      %get3A_12 = tpu.vector_load %arg6[%get3A] {strides = array<i32>} : memref<16xi32, #tpu.memory_space<vmem>>, vector<16xi32>,
      %get3A_13 = vector.shape_cast %get3A_12 : vector<16xi32> to vector<16xi32>
      %add3A_14 = arith.addi %mul3A_11, %get3A_13 : vector<16xi32>
      %swap3A = arith.constant 0 : index
      %swap3A_15 = tpu.vector_load %arg7[%swap3A] {strides = array<i32>} : memref<64xi32, #tpu.memory_space<vmem>>, vector<16xi32>,
      %swap3A_16 = vector.shape_cast %swap3A_15 : vector<16xi32> to vector<16xi32>
      %swap3A_17 = vector.shape_cast %add3A_14 : vector<16xi32> to vector<16xi32>
      tpu.vector_store %arg7[%swap3A], %swap3A_17 {strides = array<i32>} : memref<64xi32, #tpu.memory_space<vmem>>, vector<16xi32>,
      %iota3A_18 = tpu.iota {dimensions = array<i32: 0>} : vector<16xi32>
      %add3A_19 = arith.constant 16 : i32
      %add3A_20 = arith.addi %mul3A_2, %add3A_19 : i32
      %add3A_21 = vector.broadcast %add3A_20 : i32 to vector<16xi32>
      %add3A_22 = arith.addi %iota3A_18, %add3A_21 : vector<16xi32>
      %mul3A_23 = arith.constant 2048 : i32
      %mul3A_24 = vector.broadcast %mul3A_23 : i32 to vector<16xi32>
      %mul3A_25 = arith.muli %add3A_22, %mul3A_24 : vector<16xi32>
      %get3A_26 = arith.constant 0 : index
      %get3A_27 = tpu.vector_load %arg6[%get3A_26] {strides = array<i32>} : memref<16xi32, #tpu.memory_space<vmem>>, vector<16xi32>,
      %get3A_28 = vector.shape_cast %get3A_27 : vector<16xi32> to vector<16xi32>
      %add3A_29 = arith.addi %mul3A_25, %get3A_28 : vector<16xi32>
      %swap3A_30 = arith.constant 16 : index
      %swap3A_31 = tpu.vector_load %arg7[%swap3A_30] {strides = array<i32>} : memref<64xi32, #tpu.memory_space<vmem>>, vector<16xi32>,
      %swap3A_32 = vector.shape_cast %swap3A_31 : vector<16xi32> to vector<16xi32>
      %swap3A_33 = vector.shape_cast %add3A_29 : vector<16xi32> to vector<16xi32>
      tpu.vector_store %arg7[%swap3A_30], %swap3A_33 {strides = array<i32>} : memref<64xi32, #tpu.memory_space<vmem>>, vector<16xi32>,
      %iota3A_34 = tpu.iota {dimensions = array<i32: 0>} : vector<16xi32>
      %add3A_35 = arith.constant 32 : i32
      %add3A_36 = arith.addi %mul3A_2, %add3A_35 : i32
      %add3A_37 = vector.broadcast %add3A_36 : i32 to vector<16xi32>
      %add3A_38 = arith.addi %iota3A_34, %add3A_37 : vector<16xi32>
      %mul3A_39 = arith.constant 2048 : i32
      %mul3A_40 = vector.broadcast %mul3A_39 : i32 to vector<16xi32>
      %mul3A_41 = arith.muli %add3A_38, %mul3A_40 : vector<16xi32>
      %get3A_42 = arith.constant 0 : index
      %get3A_43 = tpu.vector_load %arg6[%get3A_42] {strides = array<i32>} : memref<16xi32, #tpu.memory_space<vmem>>, vector<16xi32>,
      %get3A_44 = vector.shape_cast %get3A_43 : vector<16xi32> to vector<16xi32>
      %add3A_45 = arith.addi %mul3A_41, %get3A_44 : vector<16xi32>
      %swap3A_46 = arith.constant 32 : index
      %swap3A_47 = tpu.vector_load %arg7[%swap3A_46] {strides = array<i32>} : memref<64xi32, #tpu.memory_space<vmem>>, vector<16xi32>,
      %swap3A_48 = vector.shape_cast %swap3A_47 : vector<16xi32> to vector<16xi32>
      %swap3A_49 = vector.shape_cast %add3A_45 : vector<16xi32> to vector<16xi32>
      tpu.vector_store %arg7[%swap3A_46], %swap3A_49 {strides = array<i32>} : memref<64xi32, #tpu.memory_space<vmem>>, vector<16xi32>,
      %iota3A_50 = tpu.iota {dimensions = array<i32: 0>} : vector<16xi32>
      %add3A_51 = arith.constant 48 : i32
      %add3A_52 = arith.addi %mul3A_2, %add3A_51 : i32
      %add3A_53 = vector.broadcast %add3A_52 : i32 to vector<16xi32>
      %add3A_54 = arith.addi %iota3A_50, %add3A_53 : vector<16xi32>
      %mul3A_55 = arith.constant 2048 : i32
      %mul3A_56 = vector.broadcast %mul3A_55 : i32 to vector<16xi32>
      %mul3A_57 = arith.muli %add3A_54, %mul3A_56 : vector<16xi32>
      %get3A_58 = arith.constant 0 : index
      %get3A_59 = tpu.vector_load %arg6[%get3A_58] {strides = array<i32>} : memref<16xi32, #tpu.memory_space<vmem>>, vector<16xi32>,
      %get3A_60 = vector.shape_cast %get3A_59 : vector<16xi32> to vector<16xi32>
      %add3A_61 = arith.addi %mul3A_57, %get3A_60 : vector<16xi32>
      %swap3A_62 = arith.constant 48 : index
      %swap3A_63 = tpu.vector_load %arg7[%swap3A_62] {strides = array<i32>} : memref<64xi32, #tpu.memory_space<vmem>>, vector<16xi32>,
      %swap3A_64 = vector.shape_cast %swap3A_63 : vector<16xi32> to vector<16xi32>
      %swap3A_65 = vector.shape_cast %add3A_61 : vector<16xi32> to vector<16xi32>
      tpu.vector_store %arg7[%swap3A_62], %swap3A_65 {strides = array<i32>} : memref<64xi32, #tpu.memory_space<vmem>>, vector<16xi32>,
      %dma_wait3A = arith.constant 0 : i32
      %dma_wait3A_66 = tpu.memref_slice %arg2[%mul3A_2, %dma_wait3A] : memref<128x128xf32, #tpu.memory_space<hbm>> -> memref<64x128xf32, #tpu.memory_space<hbm>>
      %dma_wait3A_67 = arith.constant 0 : i32
      %dma_wait3A_68 = tpu.memref_slice %arg2[%mul3A_2, %dma_wait3A_67] : memref<128x128xf32, #tpu.memory_space<hbm>> -> memref<64x128xf32, #tpu.memory_space<hbm>>
      tpu.wait_dma2 semaphore(%arg9 : memref<!tpu.dma_semaphore, #tpu.memory_space<semaphore_mem>>) src(%dma_wait3A_68 : memref<64x128xf32, #tpu.memory_space<hbm>>) dst(%arg8 : memref<64x128xf32, #tpu.memory_space<vmem>>)
      %dma_start3A_69 = arith.constant 0 : i32
      %dma_start3A_70 = arith.constant 0 : i32
      %dma_start3A_71 = tpu.memref_slice %arg4[%dma_start3A_69, %dma_start3A_70] : memref<262144x128xf32, #tpu.memory_space<hbm>> -> memref<262144x128xf32, #tpu.memory_space<hbm>>
      tpu.enqueue_indirect_dma source(%arg8 : memref<64x128xf32, #tpu.memory_space<vmem>>) target(%dma_start3A_71 : memref<262144x128xf32, #tpu.memory_space<hbm>>) offsets(%arg7 : memref<64xi32, #tpu.memory_space<vmem>>) semaphore(%arg10 : memref<!tpu.dma_semaphore, #tpu.memory_space<semaphore_mem>>)
      %dma_wait3A_72 = arith.constant 0 : i32
      %dma_wait3A_73 = arith.constant 0 : i32
      %dma_wait3A_74 = tpu.memref_slice %arg4[%dma_wait3A_72, %dma_wait3A_73] : memref<262144x128xf32, #tpu.memory_space<hbm>> -> memref<262144x128xf32, #tpu.memory_space<hbm>>
      tpu.wait_indirect_dma semaphore(%arg10 : memref<!tpu.dma_semaphore, #tpu.memory_space<semaphore_mem>>) src(%arg8 : memref<64x128xf32, #tpu.memory_space<vmem>>) dst(%dma_wait3A_74 : memref<262144x128xf32, #tpu.memory_space<hbm>>)
    } else {
    }
    return
  }
}

#map = affine_map<(d0, d1) -> (0, 0)>
#map1 = affine_map<(d0, d1) -> (0)>
module attributes {stable_mosaic.version = 14 : i64} {
  func.func @new_body(%arg0: i32, %arg1: i32, %arg2: memref<128x128xf32, #tpu.memory_space<hbm>>, %arg3: memref<16xi32, #tpu.memory_space<hbm>>, %arg4: memref<262144x128xf32, #tpu.memory_space<hbm>>, %arg5: memref<262144x128xf32, #tpu.memory_space<hbm>>, %arg6: memref<16xi32, #tpu.memory_space<vmem>>, %arg7: memref<64xi32, #tpu.memory_space<vmem>>, %arg8: memref<64x128xf32, #tpu.memory_space<vmem>>, %arg9: memref<!tpu.dma_semaphore, #tpu.memory_space<semaphore_mem>>, %arg10: memref<!tpu.dma_semaphore, #tpu.memory_space<semaphore_mem>>) attributes {dimension_semantics = [#tpu.dimension_semantics<core_parallel>, #tpu.dimension_semantics<subcore_parallel>], iteration_bounds = array<i64: 2, 16>, scalar_prefetch = 0 : i64, scratch_operands = 5 : i64, tpu.core_type = #tpu.core_type<sc_vector_subcore>, window_params = [{transform_indices = #map}, {transform_indices = #map1}, {transform_indices = #map}, {transform_indices = #map}]} {
    %eq3A = arith.constant 0 : i32
    %eq3A_0 = arith.cmpi eq, %arg1, %eq3A : i32
    %convert_element_type3A = arith.extui %eq3A_0 : i1 to i32
    %cond3A = arith.constant 0 : i32
    %cond3A_1 = arith.cmpi ne, %convert_element_type3A, %cond3A : i32
    scf.if %cond3A_1 {
      %mul3A = arith.constant 64 : i32
      %mul3A_2 = arith.muli %arg0, %mul3A : i32
      %dma_start3A = arith.constant 0 : i32
      %dma_start3A_3 = tpu.memref_slice %arg2[%mul3A_2, %dma_start3A] : memref<128x128xf32, #tpu.memory_space<hbm>> -> memref<64x128xf32, #tpu.memory_space<hbm>>
      %dma_start3A_4 = arith.constant 0 : i32
      %dma_start3A_5 = tpu.memref_slice %arg2[%mul3A_2, %dma_start3A_4] : memref<128x128xf32, #tpu.memory_space<hbm>> -> memref<64x128xf32, #tpu.memory_space<hbm>>
      tpu.enqueue_dma source(%dma_start3A_5 : memref<64x128xf32, #tpu.memory_space<hbm>>) target(%arg8 : memref<64x128xf32, #tpu.memory_space<vmem>>) target_semaphore(%arg9 : memref<!tpu.dma_semaphore, #tpu.memory_space<semaphore_mem>>)
      tpu.enqueue_dma source(%arg3 : memref<16xi32, #tpu.memory_space<hbm>>) target(%arg6 : memref<16xi32, #tpu.memory_space<vmem>>) target_semaphore(%arg10 : memref<!tpu.dma_semaphore, #tpu.memory_space<semaphore_mem>>)
      tpu.wait_dma2 semaphore(%arg10 : memref<!tpu.dma_semaphore, #tpu.memory_space<semaphore_mem>>) src(%arg3 : memref<16xi32, #tpu.memory_space<hbm>>) dst(%arg6 : memref<16xi32, #tpu.memory_space<vmem>>)
      %iota3A = tpu.iota {dimensions = array<i32: 0>} : vector<16xi32>
      %add3A = arith.constant 0 : i32
      %add3A_6 = arith.addi %mul3A_2, %add3A : i32
      %add3A_7 = vector.broadcast %add3A_6 : i32 to vector<16xi32>
      %add3A_8 = arith.addi %iota3A, %add3A_7 : vector<16xi32>
      %mul3A_9 = arith.constant 2048 : i32
      %mul3A_10 = vector.broadcast %mul3A_9 : i32 to vector<16xi32>
      %mul3A_11 = arith.muli %add3A_8, %mul3A_10 : vector<16xi32>
      %get3A = arith.constant 0 : index
      %get3A_12 = tpu.vector_load %arg6[%get3A] {strides = array<i32>} : memref<16xi32, #tpu.memory_space<vmem>>, vector<16xi32>,
      %get3A_13 = vector.shape_cast %get3A_12 : vector<16xi32> to vector<16xi32>
      %add3A_14 = arith.addi %mul3A_11, %get3A_13 : vector<16xi32>
      %swap3A = arith.constant 0 : index
      %swap3A_15 = tpu.vector_load %arg7[%swap3A] {strides = array<i32>} : memref<64xi32, #tpu.memory_space<vmem>>, vector<16xi32>,
      %swap3A_16 = vector.shape_cast %swap3A_15 : vector<16xi32> to vector<16xi32>
      %swap3A_17 = vector.shape_cast %add3A_14 : vector<16xi32> to vector<16xi32>
      tpu.vector_store %arg7[%swap3A], %swap3A_17 {strides = array<i32>} : memref<64xi32, #tpu.memory_space<vmem>>, vector<16xi32>,
      %iota3A_18 = tpu.iota {dimensions = array<i32: 0>} : vector<16xi32>
      %add3A_19 = arith.constant 16 : i32
      %add3A_20 = arith.addi %mul3A_2, %add3A_19 : i32
      %add3A_21 = vector.broadcast %add3A_20 : i32 to vector<16xi32>
      %add3A_22 = arith.addi %iota3A_18, %add3A_21 : vector<16xi32>
      %mul3A_23 = arith.constant 2048 : i32
      %mul3A_24 = vector.broadcast %mul3A_23 : i32 to vector<16xi32>
      %mul3A_25 = arith.muli %add3A_22, %mul3A_24 : vector<16xi32>
      %get3A_26 = arith.constant 0 : index
      %get3A_27 = tpu.vector_load %arg6[%get3A_26] {strides = array<i32>} : memref<16xi32, #tpu.memory_space<vmem>>, vector<16xi32>,
      %get3A_28 = vector.shape_cast %get3A_27 : vector<16xi32> to vector<16xi32>
      %add3A_29 = arith.addi %mul3A_25, %get3A_28 : vector<16xi32>
      %swap3A_30 = arith.constant 16 : index
      %swap3A_31 = tpu.vector_load %arg7[%swap3A_30] {strides = array<i32>} : memref<64xi32, #tpu.memory_space<vmem>>, vector<16xi32>,
      %swap3A_32 = vector.shape_cast %swap3A_31 : vector<16xi32> to vector<16xi32>
      %swap3A_33 = vector.shape_cast %add3A_29 : vector<16xi32> to vector<16xi32>
      tpu.vector_store %arg7[%swap3A_30], %swap3A_33 {strides = array<i32>} : memref<64xi32, #tpu.memory_space<vmem>>, vector<16xi32>,
      %iota3A_34 = tpu.iota {dimensions = array<i32: 0>} : vector<16xi32>
      %add3A_35 = arith.constant 32 : i32
      %add3A_36 = arith.addi %mul3A_2, %add3A_35 : i32
      %add3A_37 = vector.broadcast %add3A_36 : i32 to vector<16xi32>
      %add3A_38 = arith.addi %iota3A_34, %add3A_37 : vector<16xi32>
      %mul3A_39 = arith.constant 2048 : i32
      %mul3A_40 = vector.broadcast %mul3A_39 : i32 to vector<16xi32>
      %mul3A_41 = arith.muli %add3A_38, %mul3A_40 : vector<16xi32>
      %get3A_42 = arith.constant 0 : index
      %get3A_43 = tpu.vector_load %arg6[%get3A_42] {strides = array<i32>} : memref<16xi32, #tpu.memory_space<vmem>>, vector<16xi32>,
      %get3A_44 = vector.shape_cast %get3A_43 : vector<16xi32> to vector<16xi32>
      %add3A_45 = arith.addi %mul3A_41, %get3A_44 : vector<16xi32>
      %swap3A_46 = arith.constant 32 : index
      %swap3A_47 = tpu.vector_load %arg7[%swap3A_46] {strides = array<i32>} : memref<64xi32, #tpu.memory_space<vmem>>, vector<16xi32>,
      %swap3A_48 = vector.shape_cast %swap3A_47 : vector<16xi32> to vector<16xi32>
      %swap3A_49 = vector.shape_cast %add3A_45 : vector<16xi32> to vector<16xi32>
      tpu.vector_store %arg7[%swap3A_46], %swap3A_49 {strides = array<i32>} : memref<64xi32, #tpu.memory_space<vmem>>, vector<16xi32>,
      %iota3A_50 = tpu.iota {dimensions = array<i32: 0>} : vector<16xi32>
      %add3A_51 = arith.constant 48 : i32
      %add3A_52 = arith.addi %mul3A_2, %add3A_51 : i32
      %add3A_53 = vector.broadcast %add3A_52 : i32 to vector<16xi32>
      %add3A_54 = arith.addi %iota3A_50, %add3A_53 : vector<16xi32>
      %mul3A_55 = arith.constant 2048 : i32
      %mul3A_56 = vector.broadcast %mul3A_55 : i32 to vector<16xi32>
      %mul3A_57 = arith.muli %add3A_54, %mul3A_56 : vector<16xi32>
      %get3A_58 = arith.constant 0 : index
      %get3A_59 = tpu.vector_load %arg6[%get3A_58] {strides = array<i32>} : memref<16xi32, #tpu.memory_space<vmem>>, vector<16xi32>,
      %get3A_60 = vector.shape_cast %get3A_59 : vector<16xi32> to vector<16xi32>
      %add3A_61 = arith.addi %mul3A_57, %get3A_60 : vector<16xi32>
      %swap3A_62 = arith.constant 48 : index
      %swap3A_63 = tpu.vector_load %arg7[%swap3A_62] {strides = array<i32>} : memref<64xi32, #tpu.memory_space<vmem>>, vector<16xi32>,
      %swap3A_64 = vector.shape_cast %swap3A_63 : vector<16xi32> to vector<16xi32>
      %swap3A_65 = vector.shape_cast %add3A_61 : vector<16xi32> to vector<16xi32>
      tpu.vector_store %arg7[%swap3A_62], %swap3A_65 {strides = array<i32>} : memref<64xi32, #tpu.memory_space<vmem>>, vector<16xi32>,
      %dma_wait3A = arith.constant 0 : i32
      %dma_wait3A_66 = tpu.memref_slice %arg2[%mul3A_2, %dma_wait3A] : memref<128x128xf32, #tpu.memory_space<hbm>> -> memref<64x128xf32, #tpu.memory_space<hbm>>
      %dma_wait3A_67 = arith.constant 0 : i32
      %dma_wait3A_68 = tpu.memref_slice %arg2[%mul3A_2, %dma_wait3A_67] : memref<128x128xf32, #tpu.memory_space<hbm>> -> memref<64x128xf32, #tpu.memory_space<hbm>>
      tpu.wait_dma2 semaphore(%arg9 : memref<!tpu.dma_semaphore, #tpu.memory_space<semaphore_mem>>) src(%dma_wait3A_68 : memref<64x128xf32, #tpu.memory_space<hbm>>) dst(%arg8 : memref<64x128xf32, #tpu.memory_space<vmem>>)
      %dma_start3A_69 = arith.constant 0 : i32
      %dma_start3A_70 = arith.constant 0 : i32
      %dma_start3A_71 = tpu.memref_slice %arg4[%dma_start3A_69, %dma_start3A_70] : memref<262144x128xf32, #tpu.memory_space<hbm>> -> memref<262144x128xf32, #tpu.memory_space<hbm>>
      tpu.enqueue_indirect_dma source(%arg8 : memref<64x128xf32, #tpu.memory_space<vmem>>) target(%dma_start3A_71 : memref<262144x128xf32, #tpu.memory_space<hbm>>) offsets(%arg7 : memref<64xi32, #tpu.memory_space<vmem>>) semaphore(%arg10 : memref<!tpu.dma_semaphore, #tpu.memory_space<semaphore_mem>>)
      %dma_wait3A_72 = arith.constant 0 : i32
      %dma_wait3A_73 = arith.constant 0 : i32
      %dma_wait3A_74 = tpu.memref_slice %arg4[%dma_wait3A_72, %dma_wait3A_73] : memref<262144x128xf32, #tpu.memory_space<hbm>> -> memref<262144x128xf32, #tpu.memory_space<hbm>>
      tpu.wait_indirect_dma semaphore(%arg10 : memref<!tpu.dma_semaphore, #tpu.memory_space<semaphore_mem>>) src(%arg8 : memref<64x128xf32, #tpu.memory_space<vmem>>) dst(%dma_wait3A_74 : memref<262144x128xf32, #tpu.memory_space<hbm>>)
    } else {
    }
    return
  }
}

module attributes {stable_mosaic.version = 14 : i64} {
  func.func @_tc_copy_body(%arg0: i32, %arg1: memref<16384x128xf32, #tpu.memory_space<vmem>>, %arg2: memref<16384x128xf32, #tpu.memory_space<vmem>>) attributes {dimension_semantics = [#tpu.dimension_semantics<arbitrary>], iteration_bounds = array<i64: 16>, scalar_prefetch = 0 : i64, scratch_operands = 0 : i64, tpu.core_type = #tpu.core_type<tc>, window_params = [{transform_indices = @transform_0, window_bounds = array<i64: 16384, 128>}, {transform_indices = @transform_1, window_bounds = array<i64: 16384, 128>}]} {
    %get3A = arith.constant 0 : index
    %get3A_0 = arith.constant 0 : index
    %get3A_1 = vector.load %arg1[%get3A, %get3A_0] : memref<16384x128xf32, #tpu.memory_space<vmem>>, vector<16384x128xf32>
    %swap3A = arith.constant 0 : index
    %swap3A_2 = arith.constant 0 : index
    %swap3A_3 = vector.load %arg2[%swap3A, %swap3A_2] : memref<16384x128xf32, #tpu.memory_space<vmem>>, vector<16384x128xf32>
    tpu.vector_store %arg2[%swap3A, %swap3A_2], %get3A_1 {strides = array<i32>} : memref<16384x128xf32, #tpu.memory_space<vmem>>, vector<16384x128xf32>,
    return
  }
  func.func @transform_0(%arg0: i32) -> (i32, i32) {
    %c0_i32 = arith.constant 0 : i32
    %c0_i32_0 = arith.constant 0 : i32
    return %arg0, %c0_i32 : i32, i32
  }
  func.func @transform_1(%arg0: i32) -> (i32, i32) {
    %c0_i32 = arith.constant 0 : i32
    %c0_i32_0 = arith.constant 0 : i32
    return %arg0, %c0_i32 : i32, i32
  }
}

</mosaic_0001>

<sc_bundles>
// kernel: kernel.6.cloned.1.call-start
scs
__scs_entry_jumppad:
0x0: {  	(pc) =	sbr.rel $0x88, $3  }
0x1: {  	(tag) =	ssettag $0x0;
	lr =	simm.s32 $0x1  }
0x2: {  	[smem:$0x3F9C] =	sst lr;
	_ =	strace $0xD0000000  }
0x3: {  	_ = 	snop  }
0x4: {  	_ = 	snop  }
0x5: {  	_ = 	snop  }
0x6: {  	_ = 	snop  }
0x7: {  	_ = 	snop  }
__scs_overlays_trampoline_lowered:
0x8: {  	[smem:$0x3FAB] =	sst s0  }
0x9: {  	[smem:$0x3FAC] =	sst s1  }
0xa: {  	[smem:$0x3FAD] =	sst s2  }
0xb: {  	[smem:$0x3FAE] =	sst s3  }
0xc: {  	[smem:$0x3FAF] =	sst s4  }
0xd: {  	[smem:$0x3FB0] =	sst s5  }
0xe: {  	[smem:$0x3FB1] =	sst s6  }
0xf: {  	[smem:$0x3FB2] =	sst s7  }
0x10: {  	[smem:$0x3FB3] =	sst s8  }
0x11: {  	[smem:$0x3FB4] =	sst s9;
	s0 =	simm.s32 @!p0 $0x0  }
0x12: {  	s1 =	sld [smem:$0x3F9A];
	s0 =	simm.s32 @p0 $0x1  }
0x13: {  	[smem:$0x3FB5] =	sst s0;
	s0 =	simm.s32 @!p1 $0x0  }
0x14: {  	s2 =	sld [smem:$0x3F99];
	s0 =	simm.s32 @p1 $0x1  }
0x15: {  	[smem:$0x3FB6] =	sst s0;
	s0 =	simm.s32 @!p2 $0x0  }
0x16: {  	s3 =	sld [smem:$0x3FDB];
	s0 =	simm.s32 @p2 $0x1  }
0x17: {  	s4 =	simm.s32 $0x1BF5;
	[smem:$0x3FB8] =	sst s0  }
0x18: {  	s0 =	sld [smem:$0x3F9B];
	_ =	swait.ge [sflag:s4], $0x0  }
0x19: {  	s7 =	sld [smem:$0x3F9C]  }
0x1a: {  	s8 =	sadd.s32 $0xFFFFE003, lr  }
0x1b: {  	s9 =	sadd.s32 $0xFFFFFEF7, lr;
	s5 =	simm.s32 $0xFFFFFFFF;
	p2 =	slt.u32 s8, $0xFFFFF086  }
0x1c: {  	p1 =	slt.u32 s9, $0xF7A;
	s5 =	simm.s32 @!p2 $0x0  }
0x1d: {  	s5 =	simm.s32 @p1 $0x1;
	p0 =	seq.s32 s7, s2  }
0x1e: {  	s7 =	smul.u32 @!p0 $0xF7A, s2;
	p2 =	seq.s32 @!p0 s5, $0x0  }
0x1f: {  	s9 =	smul.u32 $0xF7A, s1;
	s8 =	simm.s32 @!p0 $0x1BF5;
	p2 =	por !p2, p0  }
0x20: {  	[sflag:s8] =	ssyncset.s32 @!p0 $0xFFFFF086;
	s6 =	sadd.s32 @!p0 s3, s7;
	s7 =	simm.s32 @!p0 $0x108  }
0x21: {  	s3 =	sadd.s32 s3, s9;
	s6 =	sadd.s32 @!p0 $0x88, s6;
	s7 =	simm.s32 @p2 $0x1082  }
0x22: {  	[simem:s7], [sflag:s8] =	dma.local @!p0 [hbm:s6], $0xF7A  }
0x23: {  	s9 =	sor.u32 $0xD0000000, s2;
	s6 =	simm.s32 $0x108;
	_ =	swait.ge @!p0 [sflag:s8], $0x0  }
0x24: {  	s3 =	sadd.s32 $0x88, s3;
	s6 =	simm.s32 @!p1 $0x1082;
	[sflag:s4] =	ssyncset.s32 $0xFFFFF086  }
0x25: {  	[simem:s6], [sflag:s4] =	dma.local [hbm:s3], $0xF7A  }
0x26: {  	[smem:$0x3F9C] =	sst s1;
	(tag) =	ssettag s2;
	_ =	strace s9  }
0x27: {  	s1 =	sld [smem:$0x3FAC]  }
0x28: {  	s2 =	sld [smem:$0x3FAD]  }
0x29: {  	s4 =	sld [smem:$0x3FAF]  }
0x2a: {  	p0 =	seq.s32 s5, $0x0;
	s5 =	sld [smem:$0x3FB0]  }
0x2b: {  	s6 =	sld [smem:$0x3FB1]  }
0x2c: {  	s7 =	sld [smem:$0x3FB2]  }
0x2d: {  	s3 =	simm.s32 $0x108;
	s8 =	sld [smem:$0x3FB3]  }
0x2e: {  	s3 =	simm.s32 @!p0 $0x1082;
	s9 =	sld [smem:$0x3FB4]  }
0x2f: {  	lr =	sadd.s32 s0, s3;
	s0 =	sld [smem:$0x3FAB]  }
0x30: {  	s3 =	sld [smem:$0x3FAE]  }
0x31: {  	[smem:$0x3FB7] =	sst s10  }
0x32: {  	s10 =	sld [smem:$0x3FB5];
	_ =	sdelay $0x3  }
0x33: {  	p0 =	seq.s32 s10, $0x1;
	s10 =	sld [smem:$0x3FB7];
	_ =	sdelay $0x3  }
0x34: {  	[smem:$0x3FB7] =	sst s10  }
0x35: {  	s10 =	sld [smem:$0x3FB6];
	_ =	sdelay $0x3  }
0x36: {  	p1 =	seq.s32 s10, $0x1;
	s10 =	sld [smem:$0x3FB7];
	_ =	sdelay $0x3  }
0x37: {  	[smem:$0x3FB7] =	sst s10  }
0x38: {  	s10 =	sld [smem:$0x3FB8]  }
0x39: {  	_ = 	snop;
	(pc) =	sbr.ind lr, $3  }
0x3a: {  	_ = 	snop  }
0x3b: {  	_ = 	snop  }
0x3c: {  	p2 =	seq.s32 s10, $0x1;
	s10 =	sld [smem:$0x3FB7]  }
0x3d: {  	_ =	shalt  }
0x3e: {  	_ =	shalt  }
0x3f: {  	_ =	shalt  }
0x40: {  	_ =	shalt  }
0x41: {  	_ =	shalt  }
0x42: {  	_ =	shalt  }
0x43: {  	_ =	shalt  }
0x44: {  	_ =	shalt  }
0x45: {  	_ =	shalt  }
0x46: {  	_ =	shalt  }
0x47: {  	_ =	shalt  }
0x48: {  	_ =	shalt  }
0x49: {  	_ =	shalt  }
0x4a: {  	_ =	shalt  }
0x4b: {  	_ =	shalt  }
0x4c: {  	_ =	shalt  }
0x4d: {  	_ =	shalt  }
0x4e: {  	_ =	shalt  }
0x4f: {  	_ =	shalt  }
0x50: {  	_ =	shalt  }
0x51: {  	_ =	shalt  }
0x52: {  	_ =	shalt  }
0x53: {  	_ =	shalt  }
0x54: {  	_ =	shalt  }
0x55: {  	_ =	shalt  }
0x56: {  	_ =	shalt  }
0x57: {  	_ =	shalt  }
0x58: {  	_ =	shalt  }
0x59: {  	_ =	shalt  }
0x5a: {  	_ =	shalt  }
0x5b: {  	_ =	shalt  }
0x5c: {  	_ =	shalt  }
0x5d: {  	_ =	shalt  }
0x5e: {  	_ =	shalt  }
0x5f: {  	_ =	shalt  }
0x60: {  	_ =	shalt  }
0x61: {  	_ =	shalt  }
0x62: {  	_ =	shalt  }
0x63: {  	_ =	shalt  }
0x64: {  	_ =	shalt  }
0x65: {  	_ =	shalt  }
0x66: {  	_ =	shalt  }
0x67: {  	_ =	shalt  }
0x68: {  	_ =	shalt  }
0x69: {  	_ =	shalt  }
0x6a: {  	_ =	shalt  }
0x6b: {  	_ =	shalt  }
0x6c: {  	_ =	shalt  }
0x6d: {  	_ =	shalt  }
0x6e: {  	_ =	shalt  }
0x6f: {  	_ =	shalt  }
0x70: {  	_ =	shalt  }
0x71: {  	_ =	shalt  }
0x72: {  	_ =	shalt  }
0x73: {  	_ =	shalt  }
0x74: {  	_ =	shalt  }
0x75: {  	_ =	shalt  }
0x76: {  	_ =	shalt  }
0x77: {  	_ =	shalt  }
0x78: {  	_ =	shalt  }
0x79: {  	_ =	shalt  }
0x7a: {  	_ =	shalt  }
0x7b: {  	_ =	shalt  }
0x7c: {  	_ =	shalt  }
0x7d: {  	_ =	shalt  }
0x7e: {  	_ =	shalt  }
0x7f: {  	_ =	shalt  }
0x80: {  	_ =	shalt  }
0x81: {  	_ =	shalt  }
0x82: {  	_ =	shalt  }
0x83: {  	_ =	shalt  }
0x84: {  	_ =	shalt  }
0x85: {  	_ =	shalt  }
0x86: {  	_ =	shalt  }
0x87: {  	_ =	shalt  }
.Lfunc_end0:
.L_simem_size_0:
called_computation_lowered:
.L_overlay_start_0:
0x88: {  	s2 =	sld [smem:$0x3FD9]  }
0x89: {  	s3 =	sld [smem:$0x3FFE];
	_ =	sdelay $0x1  }
0x8a: {  	s1 =	srdreg.scid  }
0x8b: {  	s0 =	sand.u32 $0x1, s1  }
0x8c: {  	s15 =	sshll.u32 s0, $0xA;
	s2 =	sadd.s32 s3, s2  }
0x8d: {  	s2 =	sadd.s32 s2, s15  }
0x8e: {  	[smem:$0x3FC3] =	sst s2  }
0x8f: {  	_ = 	snop  }
0x90: {  	s16 =	sld [smem:$0x3FD0];
	_ =	sdelay $0x2  }
0x91: {  	s4 =	simm.s32 $0xB;
	s5 =	simm.s32 $0x10;
	s2 =	sld [smem:$0x3FC7]  }
0x92: {  	[smem:s5], [sflag:s4] =	dma.local [hbm:s16], $0x1  }
0x93: {  	_ =	swait.eq [sflag:s4], $0x1  }
0x94: {  	[sflag:s4] =	ssyncset.done $0x0  }
0x95: {  	[sflag:s4] =	ssyncadd.s32 $0xFFFFFFFF  }
0x96: {  	s17 =	sld [smem:$0x10];
	(tm) =	ssettm $0x1  }
0x97: {  	s18 =	sld [smem:$0x3FFB];
	_ =	sdelay $0x3  }
0x98: {  	_ =	strace s18  }
0x99: {  	s3 =	sld [smem:$0x3FFC];
	_ =	sdelay $0x3  }
0x9a: {  	_ =	strace s3  }
0x9b: {  	s3 =	sld [smem:$0x3FFD];
	_ =	sdelay $0x3  }
0x9c: {  	_ =	strace s3  }
0x9d: {  	_ =	strace $0x8FFFFFFF  }
0x9e: {  	s19 =	sld [smem:$0x3FDB];
	_ =	sdelay $0x1  }
0x9f: {  	s20 =	simm.s32 $_scs_section_size  }
0xa0: {  	s6 =	simm.s32 $_size__tile_overlayer_lowered;
	s7 =	simm.s32 $_tile_overlayer_lowered  }
0xa1: {  	s8 =	simm.s32 $0x1BFF;
	s21 =	sshll.u32 s7, $0x1;
	s5 =	sadd.s32 s20, s19  }
0xa2: {  	s22 =	simm.s32 $0x0;
	s6 =	sshll.u32 s6, $0x1;
	s7 =	sadd.s32 s21, s5  }
0xa3: {  	[timem:s22], [sflag:s8] =	dma.local [hbm:s7], s6  }
0xa4: {  	_ =	swait.ge [sflag:s8], s6  }
0xa5: {  	s6 =	ssub.s32 $0x0, s6;
	[sflag:s8] =	ssyncset.done $0x0  }
0xa6: {  	[sflag:s8] =	ssyncadd.s32 s6;
	_ =	sdelay $0x1  }
0xa7: {  	s23 =	simm.s32 $0x1B8B  }
0xa8: {  	_ =	swait.ge [sflag:s23], $0x1  }
0xa9: {  	[sflag:s23] =	ssyncset.done $0x0  }
0xaa: {  	[sflag:s23] =	ssyncadd.s32 $0xFFFFFFFF  }
0xab: {  	s6 =	sld [smem:$0x0]  }
0xac: {  	s7 =	sand.u32 $0xFFFFFFFE, s1  }
0xad: {  	p0 =	sne.s32 s1, s7  }
0xae: {  	s7 =	sshll.u32 @p0 s7, $0xE  }
0xaf: {  	s7 =	sadd.s32 @p0 $0x11B8D, s7;
	s8 =	sshll.u32 @p0 s6, $0x11  }
0xb0: {  	s7 =	sor.u32 @p0 s8, s7  }
0xb1: {  	[sflag:s7] =	ssyncadd.remote.s32 @p0 $0x1;
	_ =	sdelay $0x1  }
0xb2: {  	s7 =	simm.s32 @p0 $0x1B8D  }
0xb3: {  	_ =	swait.eq @p0 [sflag:s7], $0x1  }
0xb4: {  	[sflag:s7] =	ssyncadd.s32 @p0 $0xFFFFFFFF  }
0xb5: {  	s8 =	sshll.u32 @!p0 s1, $0xE  }
0xb6: {  	s8 =	sor.u32 @!p0 $0x4000, s8;
	s7 =	simm.s32 @!p0 $0x1B8D  }
0xb7: {  	s6 =	sshll.u32 @!p0 s6, $0x11;
	s8 =	sadd.s32 @!p0 $0x11B8D, s8;
	_ =	swait.eq @!p0 [sflag:s7], $0x1  }
0xb8: {  	s6 =	sor.u32 @!p0 s6, s8;
	[sflag:s7] =	ssyncadd.s32 @!p0 $0xFFFFFFFF  }
0xb9: {  	s25 =	simm.s32 $0x1B8E;
	s24 =	sld [smem:$0x3FFE];
	[sflag:s6] =	ssyncadd.remote.s32 @!p0 $0x1  }
0xba: {  	s26 =	simm.s32 $execute0_lowered;
	[smem:$0x3FD2] =	sst s25  }
0xbb: {  	s7 =	sshll.u32 s26, $0x1;
	_ =	strace $0x80000049;
	[dreg:$0x1] =	wrdreg $0xFFFFFFFF  }
0xbc: {  	s28 =	simm.s32 $_size_execute0_lowered;
	s5 =	sadd.s32 s5, s7;
	[dreg:$0x0] =	wrdreg $0x0  }
0xbd: {  	s7 =	sshll.u32 s28, $0x1;
	[dreg:$0x2] =	wrdreg s5  }
0xbe: {  	[dreg:$0x3] =	wrdreg s7  }
0xbf: {  	[dreg:$0x4] =	wrdreg $0xC0  }
0xc0: {  	_ =	task [dreg:s22], $0x5FFFF  }
0xc1: {  	[dreg:$0x1] =	wrdreg $0xFFFFFFFF  }
0xc2: {  	[dreg:$0x0] =	wrdreg $0x60  }
0xc3: {  	[dreg:$0x2] =	wrdreg s2  }
0xc4: {  	[dreg:$0x3] =	wrdreg s24  }
0xc5: {  	[dreg:$0x4] =	wrdreg s17  }
0xc6: {  	[dreg:$0x5] =	wrdreg $0x9  }
0xc7: {  	_ =	task.clear_ibuf [dreg:s22], $0x6FFFF;
	_ =	strace $0x90000049  }
0xc8: {  	s29 =	simm.s32 $0x9;
	_ =	strace $0x8000004B  }
0xc9: {  	_ =	swait.ge [sflag:s29], $0x1  }
0xca: {  	[sflag:s29] =	ssyncadd.s32 $0xFFFFFFFF  }
0xcb: {  	_ =	strace $0x9000004B  }
0xcc: {  	_ =	sfence  }
0xcd: {  	s30 =	sld [smem:$0x0];
	_ =	sdelay $0x2  }
0xce: {  	s31 =	sshll.u32 s1, $0xD;
	s1 =	sshrl.u32 s1, $0x2  }
0xcf: {  	s4 =	sand.u32 $0x4000, s31;
	s1 =	sadd.s32 s1, s30  }
0xd0: {  	s0 =	sor.u32 s4, s0;
	s1 =	sshll.u32 s1, $0x11  }
0xd1: {  	s0 =	sor.u32 s1, s0  }
0xd2: {  	s0 =	sadd.s32 $0x8F2B, s0  }
0xd3: {  	[sflag:s0] =	ssyncadd.remote.s32 $0x1  }
0xd4: {  	_ =	sfence.sel $0xFFFF  }
0xd5: {  	[dreg:$0x0] =	wrdreg $0xFFFFFFFF;
	(pc) =	sbr.abs _section_cstart, $3  }
0xd6: {  	[dreg:$0x1] =	wrdreg $0xFFFFFFFF  }
0xd7: {  	_ =	task.clear_ibuf [dreg:s22], $0x2FFFF;
	_ =	strace $0x9FFFFFFF  }
0xd8: {  	(tm) =	ssettm $0x7FFFFFFF  }
0xd9: {  	_ =	shalt  }
tec
execute0_lowered:
.L_overlay_start_1:
0x0: {  	(tag) =	ssettag $0x1  }
0x1: {  	s5 =	stileid.u32  }
0x2: {  	p0 =	sne.s32 s5, $0x0  }
.Ltmp0:
0x3: {  	s3 =	rddreg [dreg:$0x0];
	(pc) =	sbr.rel @p0 .LBB2_4-.Ltmp0, $4  }
0x4: {  	s4 =	rddreg [dreg:$0x1]  }
0x5: {  	s1 =	rddreg [dreg:$0x2];
	s2 =	simm.s32 $0x0  }
0x6: {  	[smem:$0x7FF] =	sst s2  }
0x7: {  	s0 =	rddreg [dreg:$0x3];
	_ =	strace $0x8000004A  }
0x8: {  	s5 =	srdreg.scid  }
0x9: {  	s7 =	sand.u32 $0x1, s5  }
0xa: {  	s5 =	sshll.u32 s7, $0xA  }
0xb: {  	s5 =	sadd.s32 s3, s5;
	s3 =	simm.s32 $0x100  }
0xc: {  	[tilespmem:s3], [sflag:$0x1] =	stream.linear.gather [hbm4b:s5+s2], $0x2000, $0x38;
	[tilespmem:$0x2100] =	vst v63  }
0xd: {  	s6 =	sadd.s32 $0x800, s4;
	s4 =	simm.s32 $0x2  }
0xe: {  	[tilespmem:s2], [sflag:$0x2] =	stream.linear.gather [hbm4b:s6+s2], $0x80, $0x38;
	[tilespmem:$0x2100] =	vst v63  }
0xf: {  	_ =	swait.ge [sflag:s4], $0x80  }
0x10: {  	[sflag:s4] =	ssyncset.done $0x0  }
0x11: {  	[sflag:s4] =	ssyncadd.s32 $0xFFFFFF80  }
0x12: {  	s8 =	sshll.u32 s7, $0x6;
	v2 =	vld [tilespmem:$0x0]  }
0x13: {  	v0 =	vlaneseq.u32;
	s9 =	sor.u32 $0x30, s8;
	v3 =	vld [tilespmem:$0x0]  }
0x14: {  	v4 =	vmul.u32 $0x800, v0;
	s10 =	sor.u32 $0x20, s8;
	v0 =	vmov s9;
	v5 =	vld [tilespmem:$0x0]  }
0x15: {  	s7 =	ssub.s32 $0x2, s7;
	v1 =	vmov s8;
	v6 =	vmov s10;
	v0 =	vshll.u32 v0, $0xB;
	v7 =	vld [tilespmem:$0x0]  }
0x16: {  	s8 =	sor.u32 $0x10, s8;
	s30 =	sshrl.u32 s7, $0x1;
	v8 =	vshll.u32 v1, $0xB;
	v1 =	vshll.u32 v6, $0xB;
	v0 =	vor.u32 v4, v0  }
0x17: {  	v62 =	vmov s8;
	s8 =	ssub.s32 s7, s30;
	v1 =	vor.u32 v4, v1;
	v2 =	vadd.s32 v0, v2  }
0x18: {  	v6 =	vshll.u32 v62, $0xB;
	s31 =	smax.u32 s8, $0x1;
	v63 =	vadd.s32 v1, v3;
	[tilespmem:$0xB0] =	vst v2;
	v2 =	vor.u32 v4, v8  }
0x19: {  	p1 =	sne.s32 s31, $0x1;
	v3 =	vor.u32 v4, v6;
	[tilespmem:$0xA0] =	vst v63;
	v4 =	vadd.s32 v2, v5  }
.Ltmp1:
0x1a: {  	[tilespmem:$0x80] =	vst v4;
	v4 =	vadd.s32 v3, v7;
	(pc) =	sbr.rel @!p1 .LBB2_3-.Ltmp1, $4  }
0x1b: {  	s7 =	simm.s32 $0x1;
	[tilespmem:$0x90] =	vst v4  }
0x1c: {  	_ =	swait.ge [sflag:s7], $0x2000  }
0x1d: {  	s9 =	simm.s32 $0x80;
	[sflag:s7] =	ssyncset.done $0x0  }
0x1e: {  	s8 =	simm.s32 $0x40;
	s10 =	sadd.s32 $0xFFFFFFFF, s31;
	[sflag:s7] =	ssyncadd.s32 $0xFFFFE000  }
.LBB2_2:
0x1f: {  	[hbm4b:s1+s8] =	stream.indirect.scatter [tilespmem:s3], [sflag:$0x2], $0x80, s9, s8, $0xb8;
	[tilespmem:$0x2100] =	vst v63  }
0x20: {  	p1 =	sne.s32 s10, $0x1;
	s10 =	sadd.s32 $0xFFFFFFFF, s10;
	_ =	swait.ge [sflag:s4], $0x2000  }
0x21: {  	[sflag:s4] =	ssyncset.done $0x0  }
0x22: {  	[sflag:s4] =	ssyncadd.s32 $0xFFFFE000  }
0x23: {  	[tilespmem:s3], [sflag:$0x1] =	stream.linear.gather [hbm4b:s5+s2], $0x2000, $0x38;
	[tilespmem:$0x2100] =	vst v63  }
0x24: {  	_ = 	snop  }
0x25: {  	[tilespmem:s2], [sflag:$0x2] =	stream.linear.gather [hbm4b:s6+s2], $0x80, $0x38;
	[tilespmem:$0x2100] =	vst v63  }
0x26: {  	_ =	swait.ge [sflag:s4], $0x80  }
0x27: {  	[sflag:s4] =	ssyncset.done $0x0  }
0x28: {  	[sflag:s4] =	ssyncadd.s32 $0xFFFFFF80  }
0x29: {  	v4 =	vld [tilespmem:$0x0]  }
0x2a: {  	v5 =	vld [tilespmem:$0x0]  }
0x2b: {  	v6 =	vld [tilespmem:$0x0]  }
0x2c: {  	v7 =	vld [tilespmem:$0x0];
	_ =	sdelay $0x1  }
0x2d: {  	v4 =	vadd.s32 v0, v4  }
0x2e: {  	v5 =	vadd.s32 v1, v5;
	[tilespmem:$0xB0] =	vst v4  }
0x2f: {  	v4 =	vadd.s32 v2, v6;
	[tilespmem:$0xA0] =	vst v5  }
.Ltmp2:
0x30: {  	[tilespmem:$0x80] =	vst v4;
	v4 =	vadd.s32 v3, v7;
	(pc) =	sbr.rel @p1 .LBB2_2-.Ltmp2, $4  }
0x31: {  	[tilespmem:$0x90] =	vst v4  }
0x32: {  	_ =	swait.ge [sflag:s7], $0x2000  }
0x33: {  	[sflag:s7] =	ssyncset.done $0x0  }
0x34: {  	[sflag:s7] =	ssyncadd.s32 $0xFFFFE000  }
.LBB2_3:
0x35: {  	[hbm4b:s1+s8] =	stream.indirect.scatter [tilespmem:s3], [sflag:$0x2], $0x80, s9, s8, $0xb8;
	[tilespmem:$0x2100] =	vst v63  }
0x36: {  	_ =	swait.ge [sflag:s4], $0x2000  }
0x37: {  	[sflag:s4] =	ssyncset.done $0x0  }
0x38: {  	[sflag:s4] =	ssyncadd.s32 $0xFFFFE000  }
.LBB2_4:
0x39: {  	_ =	sfence.sel $0x180000  }
0x3a: {  	[bflag:$0x0] =	sbarrier.arrive $0xFFFF  }
0x3b: {  	_ =	strace $0x9000004A  }
0x3c: {  	s0 =	sadd.s32 @!p0 $0x100000, s0;
	[bflag:$0x2] =	sbarrier.arrive $0xFFFF  }
0x3d: {  	[sflag:s0] =	ssyncadd.tile.s32 @!p0 $0x1;
	_ =	shalt  }
.Lfunc_end2:
_tile_overlayer_lowered:
.L_overlay_start_2:
0x3e: {  	(tag) =	ssettag $0x2  }
0x3f: {  	s0 =	rddreg [dreg:$0x0];
	s2 =	stileid.u32  }
0x40: {  	s1 =	rddreg [dreg:$0x1];
	p0 =	sne.s32 s2, $0x0  }
0x41: {  	s3 =	rddreg [dreg:$0x2];
	[bflag:$0x3] =	sbarrier.arrive $0xFFFF;
	s2 =	simm.s32 @!p0 $0x1C03  }
0x42: {  	[timem:s3], [sflag:s2] =	dma.local @!p0 [hbm:s0], s1  }
0x43: {  	s0 =	simm.s32 @!p0 $0x3  }
0x44: {  	_ =	swait.ge @!p0 [sflag:s0], s1  }
0x45: {  	s1 =	ssub.s32 @!p0 $0x0, s1;
	[sflag:s0] =	ssyncset.done @!p0 $0x0  }
0x46: {  	[sflag:s0] =	ssyncadd.s32 @!p0 s1  }
0x47: {  	[bflag:$0x3] =	sbarrier.arrive $0xFFFF  }
0x48: {  	_ =	shalt  }

// kernel: kernel.9.cloned.1.call-start
scs
__scs_entry_jumppad:
0x0: {  	(pc) =	sbr.rel $0x88, $3  }
0x1: {  	(tag) =	ssettag $0x0;
	lr =	simm.s32 $0x1  }
0x2: {  	[smem:$0x3F9C] =	sst lr;
	_ =	strace $0xD0000000  }
0x3: {  	_ = 	snop  }
0x4: {  	_ = 	snop  }
0x5: {  	_ = 	snop  }
0x6: {  	_ = 	snop  }
0x7: {  	_ = 	snop  }
__scs_overlays_trampoline_lowered:
0x8: {  	[smem:$0x3FAB] =	sst s0  }
0x9: {  	[smem:$0x3FAC] =	sst s1  }
0xa: {  	[smem:$0x3FAD] =	sst s2  }
0xb: {  	[smem:$0x3FAE] =	sst s3  }
0xc: {  	[smem:$0x3FAF] =	sst s4  }
0xd: {  	[smem:$0x3FB0] =	sst s5  }
0xe: {  	[smem:$0x3FB1] =	sst s6  }
0xf: {  	[smem:$0x3FB2] =	sst s7  }
0x10: {  	[smem:$0x3FB3] =	sst s8  }
0x11: {  	[smem:$0x3FB4] =	sst s9;
	s0 =	simm.s32 @!p0 $0x0  }
0x12: {  	s1 =	sld [smem:$0x3F9A];
	s0 =	simm.s32 @p0 $0x1  }
0x13: {  	[smem:$0x3FB5] =	sst s0;
	s0 =	simm.s32 @!p1 $0x0  }
0x14: {  	s2 =	sld [smem:$0x3F99];
	s0 =	simm.s32 @p1 $0x1  }
0x15: {  	[smem:$0x3FB6] =	sst s0;
	s0 =	simm.s32 @!p2 $0x0  }
0x16: {  	s3 =	sld [smem:$0x3FDB];
	s0 =	simm.s32 @p2 $0x1  }
0x17: {  	s4 =	simm.s32 $0x1BF5;
	[smem:$0x3FB8] =	sst s0  }
0x18: {  	s0 =	sld [smem:$0x3F9B];
	_ =	swait.ge [sflag:s4], $0x0  }
0x19: {  	s7 =	sld [smem:$0x3F9C]  }
0x1a: {  	s8 =	sadd.s32 $0xFFFFE003, lr  }
0x1b: {  	s9 =	sadd.s32 $0xFFFFFEF7, lr;
	s5 =	simm.s32 $0xFFFFFFFF;
	p2 =	slt.u32 s8, $0xFFFFF086  }
0x1c: {  	p1 =	slt.u32 s9, $0xF7A;
	s5 =	simm.s32 @!p2 $0x0  }
0x1d: {  	s5 =	simm.s32 @p1 $0x1;
	p0 =	seq.s32 s7, s2  }
0x1e: {  	s7 =	smul.u32 @!p0 $0xF7A, s2;
	p2 =	seq.s32 @!p0 s5, $0x0  }
0x1f: {  	s9 =	smul.u32 $0xF7A, s1;
	s8 =	simm.s32 @!p0 $0x1BF5;
	p2 =	por !p2, p0  }
0x20: {  	[sflag:s8] =	ssyncset.s32 @!p0 $0xFFFFF086;
	s6 =	sadd.s32 @!p0 s3, s7;
	s7 =	simm.s32 @!p0 $0x108  }
0x21: {  	s3 =	sadd.s32 s3, s9;
	s6 =	sadd.s32 @!p0 $0x88, s6;
	s7 =	simm.s32 @p2 $0x1082  }
0x22: {  	[simem:s7], [sflag:s8] =	dma.local @!p0 [hbm:s6], $0xF7A  }
0x23: {  	s9 =	sor.u32 $0xD0000000, s2;
	s6 =	simm.s32 $0x108;
	_ =	swait.ge @!p0 [sflag:s8], $0x0  }
0x24: {  	s3 =	sadd.s32 $0x88, s3;
	s6 =	simm.s32 @!p1 $0x1082;
	[sflag:s4] =	ssyncset.s32 $0xFFFFF086  }
0x25: {  	[simem:s6], [sflag:s4] =	dma.local [hbm:s3], $0xF7A  }
0x26: {  	[smem:$0x3F9C] =	sst s1;
	(tag) =	ssettag s2;
	_ =	strace s9  }
0x27: {  	s1 =	sld [smem:$0x3FAC]  }
0x28: {  	s2 =	sld [smem:$0x3FAD]  }
0x29: {  	s4 =	sld [smem:$0x3FAF]  }
0x2a: {  	p0 =	seq.s32 s5, $0x0;
	s5 =	sld [smem:$0x3FB0]  }
0x2b: {  	s6 =	sld [smem:$0x3FB1]  }
0x2c: {  	s7 =	sld [smem:$0x3FB2]  }
0x2d: {  	s3 =	simm.s32 $0x108;
	s8 =	sld [smem:$0x3FB3]  }
0x2e: {  	s3 =	simm.s32 @!p0 $0x1082;
	s9 =	sld [smem:$0x3FB4]  }
0x2f: {  	lr =	sadd.s32 s0, s3;
	s0 =	sld [smem:$0x3FAB]  }
0x30: {  	s3 =	sld [smem:$0x3FAE]  }
0x31: {  	[smem:$0x3FB7] =	sst s10  }
0x32: {  	s10 =	sld [smem:$0x3FB5];
	_ =	sdelay $0x3  }
0x33: {  	p0 =	seq.s32 s10, $0x1;
	s10 =	sld [smem:$0x3FB7];
	_ =	sdelay $0x3  }
0x34: {  	[smem:$0x3FB7] =	sst s10  }
0x35: {  	s10 =	sld [smem:$0x3FB6];
	_ =	sdelay $0x3  }
0x36: {  	p1 =	seq.s32 s10, $0x1;
	s10 =	sld [smem:$0x3FB7];
	_ =	sdelay $0x3  }
0x37: {  	[smem:$0x3FB7] =	sst s10  }
0x38: {  	s10 =	sld [smem:$0x3FB8]  }
0x39: {  	_ = 	snop;
	(pc) =	sbr.ind lr, $3  }
0x3a: {  	_ = 	snop  }
0x3b: {  	_ = 	snop  }
0x3c: {  	p2 =	seq.s32 s10, $0x1;
	s10 =	sld [smem:$0x3FB7]  }
0x3d: {  	_ =	shalt  }
0x3e: {  	_ =	shalt  }
0x3f: {  	_ =	shalt  }
0x40: {  	_ =	shalt  }
0x41: {  	_ =	shalt  }
0x42: {  	_ =	shalt  }
0x43: {  	_ =	shalt  }
0x44: {  	_ =	shalt  }
0x45: {  	_ =	shalt  }
0x46: {  	_ =	shalt  }
0x47: {  	_ =	shalt  }
0x48: {  	_ =	shalt  }
0x49: {  	_ =	shalt  }
0x4a: {  	_ =	shalt  }
0x4b: {  	_ =	shalt  }
0x4c: {  	_ =	shalt  }
0x4d: {  	_ =	shalt  }
0x4e: {  	_ =	shalt  }
0x4f: {  	_ =	shalt  }
0x50: {  	_ =	shalt  }
0x51: {  	_ =	shalt  }
0x52: {  	_ =	shalt  }
0x53: {  	_ =	shalt  }
0x54: {  	_ =	shalt  }
0x55: {  	_ =	shalt  }
0x56: {  	_ =	shalt  }
0x57: {  	_ =	shalt  }
0x58: {  	_ =	shalt  }
0x59: {  	_ =	shalt  }
0x5a: {  	_ =	shalt  }
0x5b: {  	_ =	shalt  }
0x5c: {  	_ =	shalt  }
0x5d: {  	_ =	shalt  }
0x5e: {  	_ =	shalt  }
0x5f: {  	_ =	shalt  }
0x60: {  	_ =	shalt  }
0x61: {  	_ =	shalt  }
0x62: {  	_ =	shalt  }
0x63: {  	_ =	shalt  }
0x64: {  	_ =	shalt  }
0x65: {  	_ =	shalt  }
0x66: {  	_ =	shalt  }
0x67: {  	_ =	shalt  }
0x68: {  	_ =	shalt  }
0x69: {  	_ =	shalt  }
0x6a: {  	_ =	shalt  }
0x6b: {  	_ =	shalt  }
0x6c: {  	_ =	shalt  }
0x6d: {  	_ =	shalt  }
0x6e: {  	_ =	shalt  }
0x6f: {  	_ =	shalt  }
0x70: {  	_ =	shalt  }
0x71: {  	_ =	shalt  }
0x72: {  	_ =	shalt  }
0x73: {  	_ =	shalt  }
0x74: {  	_ =	shalt  }
0x75: {  	_ =	shalt  }
0x76: {  	_ =	shalt  }
0x77: {  	_ =	shalt  }
0x78: {  	_ =	shalt  }
0x79: {  	_ =	shalt  }
0x7a: {  	_ =	shalt  }
0x7b: {  	_ =	shalt  }
0x7c: {  	_ =	shalt  }
0x7d: {  	_ =	shalt  }
0x7e: {  	_ =	shalt  }
0x7f: {  	_ =	shalt  }
0x80: {  	_ =	shalt  }
0x81: {  	_ =	shalt  }
0x82: {  	_ =	shalt  }
0x83: {  	_ =	shalt  }
0x84: {  	_ =	shalt  }
0x85: {  	_ =	shalt  }
0x86: {  	_ =	shalt  }
0x87: {  	_ =	shalt  }
.Lfunc_end0:
.L_simem_size_0:
called_computation.1_lowered:
.L_overlay_start_0:
0x88: {  	s2 =	sld [smem:$0x3FD9]  }
0x89: {  	s3 =	sld [smem:$0x3FFE];
	_ =	sdelay $0x1  }
0x8a: {  	s1 =	srdreg.scid  }
0x8b: {  	s0 =	sand.u32 $0x1, s1  }
0x8c: {  	s14 =	sshll.u32 s0, $0xA;
	s2 =	sadd.s32 s3, s2  }
0x8d: {  	s2 =	sadd.s32 s2, s14  }
0x8e: {  	[smem:$0x3FC3] =	sst s2  }
0x8f: {  	_ = 	snop  }
0x90: {  	s2 =	sld [smem:$0x3FD0];
	_ =	sdelay $0x2  }
0x91: {  	s4 =	simm.s32 $0xB;
	s5 =	simm.s32 $0x10;
	s15 =	sld [smem:$0x3FC6]  }
0x92: {  	[smem:s5], [sflag:s4] =	dma.local [hbm:s2], $0x1  }
0x93: {  	_ =	swait.eq [sflag:s4], $0x1  }
0x94: {  	[sflag:s4] =	ssyncset.done $0x0  }
0x95: {  	[sflag:s4] =	ssyncadd.s32 $0xFFFFFFFF  }
0x96: {  	s16 =	sld [smem:$0x11];
	(tm) =	ssettm $0x1  }
0x97: {  	s17 =	sld [smem:$0x3FFB];
	_ =	sdelay $0x3  }
0x98: {  	_ =	strace s17  }
0x99: {  	s4 =	sld [smem:$0x3FFC];
	_ =	sdelay $0x3  }
0x9a: {  	_ =	strace s4  }
0x9b: {  	s4 =	sld [smem:$0x3FFD];
	_ =	sdelay $0x3  }
0x9c: {  	_ =	strace s4  }
0x9d: {  	_ =	strace $0x8FFFFFFF  }
0x9e: {  	s18 =	sld [smem:$0x3FDB];
	_ =	sdelay $0x1  }
0x9f: {  	s19 =	simm.s32 $_scs_section_size  }
0xa0: {  	s6 =	simm.s32 $_size__tile_overlayer_lowered;
	s7 =	simm.s32 $_tile_overlayer_lowered  }
0xa1: {  	s22 =	simm.s32 $0x1BFF;
	s21 =	sshll.u32 s7, $0x1;
	s4 =	sadd.s32 s19, s18  }
0xa2: {  	s8 =	simm.s32 $0x0;
	s20 =	sshll.u32 s6, $0x1;
	s6 =	sadd.s32 s21, s4  }
0xa3: {  	[timem:s8], [sflag:s22] =	dma.local [hbm:s6], s20  }
0xa4: {  	_ =	swait.ge [sflag:s22], s20  }
0xa5: {  	s5 =	ssub.s32 $0x0, s20;
	[sflag:s22] =	ssyncset.done $0x0  }
0xa6: {  	[sflag:s22] =	ssyncadd.s32 s5;
	_ =	sdelay $0x1  }
0xa7: {  	s23 =	simm.s32 $0x1B8B  }
0xa8: {  	_ =	swait.ge [sflag:s23], $0x1  }
0xa9: {  	[sflag:s23] =	ssyncset.done $0x0  }
0xaa: {  	s25 =	simm.s32 $0x1B8E;
	s24 =	sld [smem:$0x3FFE];
	[sflag:s23] =	ssyncadd.s32 $0xFFFFFFFF  }
0xab: {  	s26 =	simm.s32 $execute0_lowered;
	[smem:$0x3FD2] =	sst s25  }
0xac: {  	s6 =	sshll.u32 s26, $0x1;
	_ =	strace $0x80000046;
	[dreg:$0x1] =	wrdreg $0xFFFFFFFF  }
0xad: {  	s28 =	simm.s32 $_size_execute0_lowered;
	s4 =	sadd.s32 s4, s6;
	[dreg:$0x0] =	wrdreg $0x0  }
0xae: {  	s6 =	sshll.u32 s28, $0x1;
	[dreg:$0x2] =	wrdreg s4  }
0xaf: {  	[dreg:$0x3] =	wrdreg s6  }
0xb0: {  	[dreg:$0x4] =	wrdreg $0xC0  }
0xb1: {  	_ =	task [dreg:s8], $0x5FFFF  }
0xb2: {  	[dreg:$0x1] =	wrdreg $0xFFFFFFFF  }
0xb3: {  	[dreg:$0x0] =	wrdreg $0x60  }
0xb4: {  	[dreg:$0x2] =	wrdreg s15  }
0xb5: {  	[dreg:$0x3] =	wrdreg s24  }
0xb6: {  	[dreg:$0x4] =	wrdreg s16  }
0xb7: {  	[dreg:$0x5] =	wrdreg $0xA  }
0xb8: {  	_ =	task.clear_ibuf [dreg:s8], $0x6FFFF;
	_ =	strace $0x90000046  }
0xb9: {  	s29 =	simm.s32 $0xA;
	_ =	strace $0x80000048  }
0xba: {  	_ =	swait.ge [sflag:s29], $0x1  }
0xbb: {  	[sflag:s29] =	ssyncadd.s32 $0xFFFFFFFF  }
0xbc: {  	_ =	strace $0x90000048  }
0xbd: {  	_ =	sfence  }
0xbe: {  	s30 =	sld [smem:$0x0];
	_ =	sdelay $0x2  }
0xbf: {  	s31 =	sshll.u32 s1, $0xD;
	s1 =	sshrl.u32 s1, $0x2  }
0xc0: {  	s3 =	sand.u32 $0x4000, s31;
	s1 =	sadd.s32 s1, s30  }
0xc1: {  	s0 =	sor.u32 s3, s0;
	s1 =	sshll.u32 s1, $0x11  }
0xc2: {  	s0 =	sor.u32 s1, s0  }
0xc3: {  	s0 =	sadd.s32 $0x8F2B, s0  }
0xc4: {  	[sflag:s0] =	ssyncadd.remote.s32 $0x1  }
0xc5: {  	_ =	sfence.sel $0xFFFF  }
0xc6: {  	[dreg:$0x0] =	wrdreg $0xFFFFFFFF;
	(pc) =	sbr.abs _section_cstart, $3  }
0xc7: {  	[dreg:$0x1] =	wrdreg $0xFFFFFFFF  }
0xc8: {  	_ =	task.clear_ibuf [dreg:s8], $0x2FFFF;
	_ =	strace $0x9FFFFFFF  }
0xc9: {  	(tm) =	ssettm $0x7FFFFFFF  }
tec
execute0_lowered:
.L_overlay_start_1:
0x0: {  	(tag) =	ssettag $0x1  }
0x1: {  	s5 =	stileid.u32  }
0x2: {  	p0 =	sne.s32 s5, $0x0  }
.Ltmp0:
0x3: {  	s3 =	rddreg [dreg:$0x0];
	(pc) =	sbr.rel @p0 .LBB2_4-.Ltmp0, $4  }
0x4: {  	s4 =	rddreg [dreg:$0x1]  }
0x5: {  	s1 =	rddreg [dreg:$0x2];
	s2 =	simm.s32 $0x0  }
0x6: {  	[smem:$0x7FF] =	sst s2  }
0x7: {  	s0 =	rddreg [dreg:$0x3];
	_ =	strace $0x80000047  }
0x8: {  	s5 =	srdreg.scid  }
0x9: {  	s7 =	sand.u32 $0x1, s5  }
0xa: {  	s5 =	sshll.u32 s7, $0xA  }
0xb: {  	s5 =	sadd.s32 s3, s5;
	s3 =	simm.s32 $0x100  }
0xc: {  	[tilespmem:s3], [sflag:$0x1] =	stream.linear.gather [hbm4b:s5+s2], $0x2000, $0x38;
	[tilespmem:$0x2100] =	vst v63  }
0xd: {  	s6 =	sadd.s32 $0x800, s4;
	s4 =	simm.s32 $0x2  }
0xe: {  	[tilespmem:s2], [sflag:$0x2] =	stream.linear.gather [hbm4b:s6+s2], $0x80, $0x38;
	[tilespmem:$0x2100] =	vst v63  }
0xf: {  	_ =	swait.ge [sflag:s4], $0x80  }
0x10: {  	[sflag:s4] =	ssyncset.done $0x0  }
0x11: {  	[sflag:s4] =	ssyncadd.s32 $0xFFFFFF80  }
0x12: {  	s8 =	sshll.u32 s7, $0x6;
	v2 =	vld [tilespmem:$0x0]  }
0x13: {  	v0 =	vlaneseq.u32;
	s9 =	sor.u32 $0x30, s8;
	v3 =	vld [tilespmem:$0x0]  }
0x14: {  	v4 =	vmul.u32 $0x800, v0;
	s10 =	sor.u32 $0x20, s8;
	v0 =	vmov s9;
	v5 =	vld [tilespmem:$0x0]  }
0x15: {  	s7 =	ssub.s32 $0x2, s7;
	v1 =	vmov s8;
	v6 =	vmov s10;
	v0 =	vshll.u32 v0, $0xB;
	v7 =	vld [tilespmem:$0x0]  }
0x16: {  	s8 =	sor.u32 $0x10, s8;
	s30 =	sshrl.u32 s7, $0x1;
	v8 =	vshll.u32 v1, $0xB;
	v1 =	vshll.u32 v6, $0xB;
	v0 =	vor.u32 v4, v0  }
0x17: {  	v62 =	vmov s8;
	s8 =	ssub.s32 s7, s30;
	v1 =	vor.u32 v4, v1;
	v2 =	vadd.s32 v0, v2  }
0x18: {  	v6 =	vshll.u32 v62, $0xB;
	s31 =	smax.u32 s8, $0x1;
	v63 =	vadd.s32 v1, v3;
	[tilespmem:$0xB0] =	vst v2;
	v2 =	vor.u32 v4, v8  }
0x19: {  	p1 =	sne.s32 s31, $0x1;
	v3 =	vor.u32 v4, v6;
	[tilespmem:$0xA0] =	vst v63;
	v4 =	vadd.s32 v2, v5  }
.Ltmp1:
0x1a: {  	[tilespmem:$0x80] =	vst v4;
	v4 =	vadd.s32 v3, v7;
	(pc) =	sbr.rel @!p1 .LBB2_3-.Ltmp1, $4  }
0x1b: {  	s7 =	simm.s32 $0x1;
	[tilespmem:$0x90] =	vst v4  }
0x1c: {  	_ =	swait.ge [sflag:s7], $0x2000  }
0x1d: {  	s9 =	simm.s32 $0x80;
	[sflag:s7] =	ssyncset.done $0x0  }
0x1e: {  	s8 =	simm.s32 $0x40;
	s10 =	sadd.s32 $0xFFFFFFFF, s31;
	[sflag:s7] =	ssyncadd.s32 $0xFFFFE000  }
.LBB2_2:
0x1f: {  	[hbm4b:s1+s8] =	stream.indirect.scatter [tilespmem:s3], [sflag:$0x2], $0x80, s9, s8, $0xb8;
	[tilespmem:$0x2100] =	vst v63  }
0x20: {  	p1 =	sne.s32 s10, $0x1;
	s10 =	sadd.s32 $0xFFFFFFFF, s10;
	_ =	swait.ge [sflag:s4], $0x2000  }
0x21: {  	[sflag:s4] =	ssyncset.done $0x0  }
0x22: {  	[sflag:s4] =	ssyncadd.s32 $0xFFFFE000  }
0x23: {  	[tilespmem:s3], [sflag:$0x1] =	stream.linear.gather [hbm4b:s5+s2], $0x2000, $0x38;
	[tilespmem:$0x2100] =	vst v63  }
0x24: {  	_ = 	snop  }
0x25: {  	[tilespmem:s2], [sflag:$0x2] =	stream.linear.gather [hbm4b:s6+s2], $0x80, $0x38;
	[tilespmem:$0x2100] =	vst v63  }
0x26: {  	_ =	swait.ge [sflag:s4], $0x80  }
0x27: {  	[sflag:s4] =	ssyncset.done $0x0  }
0x28: {  	[sflag:s4] =	ssyncadd.s32 $0xFFFFFF80  }
0x29: {  	v4 =	vld [tilespmem:$0x0]  }
0x2a: {  	v5 =	vld [tilespmem:$0x0]  }
0x2b: {  	v6 =	vld [tilespmem:$0x0]  }
0x2c: {  	v7 =	vld [tilespmem:$0x0];
	_ =	sdelay $0x1  }
0x2d: {  	v4 =	vadd.s32 v0, v4  }
0x2e: {  	v5 =	vadd.s32 v1, v5;
	[tilespmem:$0xB0] =	vst v4  }
0x2f: {  	v4 =	vadd.s32 v2, v6;
	[tilespmem:$0xA0] =	vst v5  }
.Ltmp2:
0x30: {  	[tilespmem:$0x80] =	vst v4;
	v4 =	vadd.s32 v3, v7;
	(pc) =	sbr.rel @p1 .LBB2_2-.Ltmp2, $4  }
0x31: {  	[tilespmem:$0x90] =	vst v4  }
0x32: {  	_ =	swait.ge [sflag:s7], $0x2000  }
0x33: {  	[sflag:s7] =	ssyncset.done $0x0  }
0x34: {  	[sflag:s7] =	ssyncadd.s32 $0xFFFFE000  }
.LBB2_3:
0x35: {  	[hbm4b:s1+s8] =	stream.indirect.scatter [tilespmem:s3], [sflag:$0x2], $0x80, s9, s8, $0xb8;
	[tilespmem:$0x2100] =	vst v63  }
0x36: {  	_ =	swait.ge [sflag:s4], $0x2000  }
0x37: {  	[sflag:s4] =	ssyncset.done $0x0  }
0x38: {  	[sflag:s4] =	ssyncadd.s32 $0xFFFFE000  }
.LBB2_4:
0x39: {  	_ =	sfence.sel $0x180000  }
0x3a: {  	[bflag:$0x0] =	sbarrier.arrive $0xFFFF  }
0x3b: {  	_ =	strace $0x90000047  }
0x3c: {  	s0 =	sadd.s32 @!p0 $0x100000, s0;
	[bflag:$0x2] =	sbarrier.arrive $0xFFFF  }
0x3d: {  	[sflag:s0] =	ssyncadd.tile.s32 @!p0 $0x1;
	_ =	shalt  }
.Lfunc_end2:
_tile_overlayer_lowered:
.L_overlay_start_2:
0x3e: {  	(tag) =	ssettag $0x2  }
0x3f: {  	s0 =	rddreg [dreg:$0x0];
	s2 =	stileid.u32  }
0x40: {  	s1 =	rddreg [dreg:$0x1];
	p0 =	sne.s32 s2, $0x0  }
0x41: {  	s3 =	rddreg [dreg:$0x2];
	[bflag:$0x3] =	sbarrier.arrive $0xFFFF;
	s2 =	simm.s32 @!p0 $0x1C03  }
0x42: {  	[timem:s3], [sflag:s2] =	dma.local @!p0 [hbm:s0], s1  }
0x43: {  	s0 =	simm.s32 @!p0 $0x3  }
0x44: {  	_ =	swait.ge @!p0 [sflag:s0], s1  }
0x45: {  	s1 =	ssub.s32 @!p0 $0x0, s1;
	[sflag:s0] =	ssyncset.done @!p0 $0x0  }
0x46: {  	[sflag:s0] =	ssyncadd.s32 @!p0 s1  }
0x47: {  	[bflag:$0x3] =	sbarrier.arrive $0xFFFF  }
0x48: {  	_ =	shalt  }

</sc_bundles>
